<compile_context>
chip_gen: v7x
topology: tpu7x:2x2x1
jax: 0.10.2.dev20260603
libtpu: 0.0.44.dev20260713+nightly
codegen_flags: <defaults>
</compile_context>

<pallas_src>
import functools

import jax
import jax.numpy as jnp
from jax import lax
from jax.experimental import pallas as pl
from jax.experimental.pallas import tpu as pltpu
from jax.experimental.pallas import tpu_sc as plsc

_NC = 2
_NS = 16
_NW = _NC * _NS
_L = 16


@functools.lru_cache(maxsize=None)
def _build(n_pil: int, n_out: int):
    per_w = n_out // _NW
    n_vec = per_w // _L
    steps = []
    s = 1
    while s * 2 < n_pil:
        s *= 2
    while s >= 1:
        steps.append(s)
        s //= 2

    mesh = plsc.VectorSubcoreMesh(
        core_axis_name="c", subcore_axis_name="s",
        num_cores=_NC, num_subcores=_NS,
    )

    @functools.partial(
        pl.kernel,
        out_type=jax.ShapeDtypeStruct((n_out,), jnp.float32),
        mesh=mesh,
        compiler_params=pltpu.CompilerParams(needs_layout_passes=False),
        scratch_types=[
            pltpu.VMEM((n_pil,), jnp.float32),
            pltpu.VMEM((n_pil,), jnp.float32),
            pltpu.VMEM((per_w,), jnp.float32),
            pltpu.VMEM((per_w,), jnp.float32),
            pltpu.VMEM((per_w,), jnp.float32),
            pltpu.VMEM((per_w,), jnp.int32),
            pltpu.SemaphoreType.DMA,
            pltpu.SemaphoreType.DMA,
        ],
    )
    def interp(h_hbm, p_hbm, a_hbm, b_hbm, out_hbm,
               h_v, p_v, a_v, b_v, o_v, ps_v, sem0, sem1):
        wid = lax.axis_index("s") * _NC + lax.axis_index("c")
        base = wid * per_w
        cp_p = pltpu.async_copy(p_hbm, p_v, sem0)
        cp_h = pltpu.async_copy(h_hbm, h_v, sem1)
        cp_a = pltpu.async_copy(a_hbm.at[pl.ds(base, per_w)], a_v, sem1)
        cp_b = pltpu.async_copy(b_hbm.at[pl.ds(base, per_w)], b_v, sem1)
        cp_p.wait()

        last = n_pil - 1
        zero = jnp.zeros((_L,), jnp.int32)
        iota = lax.iota(jnp.int32, _L)
        t0 = (base + iota).astype(jnp.float32)
        def sbody(i, ps):
            step = jnp.int32(steps[0]) >> i
            out = []
            for j in range(n_vec):
                cand = jnp.minimum(ps[j] + step, last)
                pv = plsc.load_gather(p_v, [cand])
                out.append(jnp.where(pv <= t0 + float(j * _L), cand, ps[j]))
            return tuple(out)

        poss = list(lax.fori_loop(0, len(steps), sbody, (zero,) * n_vec))
        for j in range(n_vec):
            ps_v[pl.ds(j * _L, _L)] = poss[j]

        cp_h.wait()
        cp_a.wait()
        cp_b.wait()

        vlast = zero + last
        h_last = plsc.load_gather(h_v, [vlast])
        h_prev = plsc.load_gather(h_v, [vlast - 1])
        p_last = plsc.load_gather(p_v, [vlast])
        p_prev = plsc.load_gather(p_v, [vlast - 1])
        slope = (h_last - h_prev) / (p_last - p_prev)
        h_ext = h_last + slope * (float(n_out - 1) - p_last)

        def bbody(j, carry):
            off = j * _L
            sl = pl.ds(off, _L)
            left = ps_v[sl]
            right = left + 1
            y_b = plsc.load_gather(h_v, [left])
            y_a = jnp.where(right > last, h_ext,
                            plsc.load_gather(h_v, [jnp.minimum(right, last)]))
            o_v[sl] = a_v[sl] * y_a + b_v[sl] * y_b
            return carry

        lax.fori_loop(0, n_vec, bbody, 0)

        pltpu.sync_copy(o_v, out_hbm.at[pl.ds(base, per_w)])

    return interp


def kernel(LS_est, pilot_pos_1based, Nfft, interp_alpha, interp_beta):
    del Nfft
    n_out = interp_alpha.shape[0]
    n_pil = LS_est.shape[0]
    return _build(n_pil, n_out)(
        LS_est, pilot_pos_1based, interp_alpha, interp_beta)

# --- scband reference (transcript-rebuilt; emitter-appended) ---
"""Pipeline reference for scband-interpolator-23871428231186 (READ-ONLY COPY).

The authoritative reference and input builder live on the scoring server;
editing this copy changes nothing except your own understanding.
"""

import jax, jax.numpy as jnp
import numpy as np


def setup_inputs(seed: int = 0) -> dict:
    key = jax.random.key(seed)
    Nfft = 8192
    n_pilots = 2048
    LS_est = jax.random.normal(jax.random.fold_in(key, 0), (n_pilots,), dtype=jnp.float32)
    pilot_pos_1based = jnp.arange(n_pilots, dtype=jnp.float32)
    # learned parameters per init_kwargs (trainable=True, Nfft=8192)
    interp_alpha = jnp.ones((Nfft,), dtype=jnp.float32) * 0.5
    interp_beta = jnp.ones((Nfft,), dtype=jnp.float32) * 0.5
    return {
        "LS_est": LS_est,
        "pilot_pos_1based": pilot_pos_1based,
        "Nfft": Nfft,
        "interp_alpha": interp_alpha,
        "interp_beta": interp_beta,
    }


def reference(LS_est, pilot_pos_1based, Nfft, interp_alpha, interp_beta):
    # Faithful translation of torch_interpolate_trainable (trainable=True path),
    # with the per-subcarrier Python loop vectorized via searchsorted + gather.
    # Inputs are real-valued, so complex64 math reduces to float32 math.
    N = interp_alpha.shape[0]
    H_est = LS_est
    pilot_loc = pilot_pos_1based
    slope = (H_est[-1] - H_est[-2]) / (pilot_loc[-1] - pilot_loc[-2])
    H_est = jnp.concatenate([H_est, H_est[-1:] + slope * (Nfft - 1 - pilot_loc[-1:])])
    pilot_loc = jnp.concatenate([pilot_loc, jnp.reshape(Nfft - 1, (1,)).astype(pilot_loc.dtype)])
    targets = jnp.arange(N, dtype=jnp.float32)
    left_idx = jnp.searchsorted(pilot_loc, targets, side='right') - 1
    left_idx = jnp.clip(left_idx, 0, pilot_loc.shape[0] - 2)
    right_idx = left_idx + 1
    Y_beta = jnp.take(H_est, left_idx)
    Y_alpha = jnp.take(H_est, right_idx)
    H_interpolated = interp_alpha * Y_alpha + interp_beta * Y_beta
    return H_interpolated

if __name__ == "__main__":
    import jax
    _d = setup_inputs()
    print(jax.jit(kernel)(*tuple(_d.values())))

</pallas_src>

<mosaic_0001>
#map = affine_map<(d0, d1) -> (0)>
module attributes {stable_mosaic.version = 14 : i64} {
  func.func @interp(%arg0: i32, %arg1: i32, %arg2: memref<2048xf32, #tpu.memory_space<hbm>>, %arg3: memref<2048xf32, #tpu.memory_space<hbm>>, %arg4: memref<8192xf32, #tpu.memory_space<hbm>>, %arg5: memref<8192xf32, #tpu.memory_space<hbm>>, %arg6: memref<8192xf32, #tpu.memory_space<hbm>>, %arg7: memref<2048xf32, #tpu.memory_space<vmem>>, %arg8: memref<2048xf32, #tpu.memory_space<vmem>>, %arg9: memref<256xf32, #tpu.memory_space<vmem>>, %arg10: memref<256xf32, #tpu.memory_space<vmem>>, %arg11: memref<256xf32, #tpu.memory_space<vmem>>, %arg12: memref<256xi32, #tpu.memory_space<vmem>>, %arg13: memref<!tpu.dma_semaphore, #tpu.memory_space<semaphore_mem>>, %arg14: memref<!tpu.dma_semaphore, #tpu.memory_space<semaphore_mem>>) attributes {dimension_semantics = [#tpu.dimension_semantics<core_parallel>, #tpu.dimension_semantics<subcore_parallel>], iteration_bounds = array<i64: 2, 16>, scalar_prefetch = 0 : i64, scratch_operands = 8 : i64, tpu.core_type = #tpu.core_type<sc_vector_subcore>, window_params = [{transform_indices = #map}, {transform_indices = #map}, {transform_indices = #map}, {transform_indices = #map}, {transform_indices = #map}]} {
    %mul3A = arith.constant 2 : i32
    %mul3A_0 = arith.muli %arg1, %mul3A : i32
    %add3A = arith.addi %mul3A_0, %arg0 : i32
    %mul3A_1 = arith.constant 256 : i32
    %mul3A_2 = arith.muli %add3A, %mul3A_1 : i32
    tpu.enqueue_dma source(%arg3 : memref<2048xf32, #tpu.memory_space<hbm>>) target(%arg8 : memref<2048xf32, #tpu.memory_space<vmem>>) target_semaphore(%arg13 : memref<!tpu.dma_semaphore, #tpu.memory_space<semaphore_mem>>)
    tpu.enqueue_dma source(%arg2 : memref<2048xf32, #tpu.memory_space<hbm>>) target(%arg7 : memref<2048xf32, #tpu.memory_space<vmem>>) target_semaphore(%arg14 : memref<!tpu.dma_semaphore, #tpu.memory_space<semaphore_mem>>)
    %dma_start3A = tpu.memref_slice %arg4[%mul3A_2] : memref<8192xf32, #tpu.memory_space<hbm>> -> memref<256xf32, #tpu.memory_space<hbm>>
    %dma_start3A_3 = tpu.memref_slice %arg4[%mul3A_2] : memref<8192xf32, #tpu.memory_space<hbm>> -> memref<256xf32, #tpu.memory_space<hbm>>
    tpu.enqueue_dma source(%dma_start3A_3 : memref<256xf32, #tpu.memory_space<hbm>>) target(%arg9 : memref<256xf32, #tpu.memory_space<vmem>>) target_semaphore(%arg14 : memref<!tpu.dma_semaphore, #tpu.memory_space<semaphore_mem>>)
    %dma_start3A_4 = tpu.memref_slice %arg5[%mul3A_2] : memref<8192xf32, #tpu.memory_space<hbm>> -> memref<256xf32, #tpu.memory_space<hbm>>
    %dma_start3A_5 = tpu.memref_slice %arg5[%mul3A_2] : memref<8192xf32, #tpu.memory_space<hbm>> -> memref<256xf32, #tpu.memory_space<hbm>>
    tpu.enqueue_dma source(%dma_start3A_5 : memref<256xf32, #tpu.memory_space<hbm>>) target(%arg10 : memref<256xf32, #tpu.memory_space<vmem>>) target_semaphore(%arg14 : memref<!tpu.dma_semaphore, #tpu.memory_space<semaphore_mem>>)
    tpu.wait_dma2 semaphore(%arg13 : memref<!tpu.dma_semaphore, #tpu.memory_space<semaphore_mem>>) src(%arg3 : memref<2048xf32, #tpu.memory_space<hbm>>) dst(%arg8 : memref<2048xf32, #tpu.memory_space<vmem>>)
    %broadcast_in_dim3A = arith.constant 0 : i32
    %broadcast_in_dim3A_6 = vector.broadcast %broadcast_in_dim3A : i32 to vector<16xi32>
    %iota3A = tpu.iota {dimensions = array<i32: 0>} : vector<16xi32>
    %add3A_7 = vector.broadcast %mul3A_2 : i32 to vector<16xi32>
    %add3A_8 = arith.addi %add3A_7, %iota3A : vector<16xi32>
    %convert_element_type3A = arith.sitofp %add3A_8 : vector<16xi32> to vector<16xf32>
    %scan3A = arith.constant 0 : i32
    %scan3A_9 = arith.constant 11 : i32
    %scan3A_10 = arith.addi %scan3A, %scan3A_9 : i32
    %scan3A_11 = arith.constant 1 : i32
    %scan3A_12:16 = scf.for %scan3A_72 = %scan3A to %scan3A_10 step %scan3A_11 iter_args(%scan3A_73 = %broadcast_in_dim3A_6, %scan3A_74 = %broadcast_in_dim3A_6, %scan3A_75 = %broadcast_in_dim3A_6, %scan3A_76 = %broadcast_in_dim3A_6, %scan3A_77 = %broadcast_in_dim3A_6, %scan3A_78 = %broadcast_in_dim3A_6, %scan3A_79 = %broadcast_in_dim3A_6, %scan3A_80 = %broadcast_in_dim3A_6, %scan3A_81 = %broadcast_in_dim3A_6, %scan3A_82 = %broadcast_in_dim3A_6, %scan3A_83 = %broadcast_in_dim3A_6, %scan3A_84 = %broadcast_in_dim3A_6, %scan3A_85 = %broadcast_in_dim3A_6, %scan3A_86 = %broadcast_in_dim3A_6, %scan3A_87 = %broadcast_in_dim3A_6, %scan3A_88 = %broadcast_in_dim3A_6) -> (vector<16xi32>, vector<16xi32>, vector<16xi32>, vector<16xi32>, vector<16xi32>, vector<16xi32>, vector<16xi32>, vector<16xi32>, vector<16xi32>, vector<16xi32>, vector<16xi32>, vector<16xi32>, vector<16xi32>, vector<16xi32>, vector<16xi32>, vector<16xi32>)  : i32 {
      %shift_right_arithmetic3A = arith.constant 1024 : i32
      %shift_right_arithmetic3A_89 = arith.shrsi %shift_right_arithmetic3A, %scan3A_72 : i32
      %add3A_90 = vector.broadcast %shift_right_arithmetic3A_89 : i32 to vector<16xi32>
      %add3A_91 = arith.addi %scan3A_73, %add3A_90 : vector<16xi32>
      %min3A = arith.constant 2047 : i32
      %min3A_92 = vector.broadcast %min3A : i32 to vector<16xi32>
      %min3A_93 = arith.minsi %add3A_91, %min3A_92 : vector<16xi32>
      %gather3A_94 = tpu.vector_load_idx %arg8[%min3A_93] : memref<2048xf32, #tpu.memory_space<vmem>>[vector<16xi32>], vector<16xf32>,
      %add3A_95 = arith.constant 0.000000e+00 : f32
      %add3A_96 = vector.broadcast %add3A_95 : f32 to vector<16xf32>
      %add3A_97 = arith.addf %convert_element_type3A, %add3A_96 : vector<16xf32>
      %le3A = arith.cmpf ole, %gather3A_94, %add3A_97 : vector<16xf32>
      %select_n3A = arith.select %le3A, %min3A_93, %scan3A_73 : vector<16xi1>, vector<16xi32>
      %add3A_98 = vector.broadcast %shift_right_arithmetic3A_89 : i32 to vector<16xi32>
      %add3A_99 = arith.addi %scan3A_74, %add3A_98 : vector<16xi32>
      %min3A_100 = arith.constant 2047 : i32
      %min3A_101 = vector.broadcast %min3A_100 : i32 to vector<16xi32>
      %min3A_102 = arith.minsi %add3A_99, %min3A_101 : vector<16xi32>
      %gather3A_103 = tpu.vector_load_idx %arg8[%min3A_102] : memref<2048xf32, #tpu.memory_space<vmem>>[vector<16xi32>], vector<16xf32>,
      %add3A_104 = arith.constant 1.600000e+01 : f32
      %add3A_105 = vector.broadcast %add3A_104 : f32 to vector<16xf32>
      %add3A_106 = arith.addf %convert_element_type3A, %add3A_105 : vector<16xf32>
      %le3A_107 = arith.cmpf ole, %gather3A_103, %add3A_106 : vector<16xf32>
      %select_n3A_108 = arith.select %le3A_107, %min3A_102, %scan3A_74 : vector<16xi1>, vector<16xi32>
      %add3A_109 = vector.broadcast %shift_right_arithmetic3A_89 : i32 to vector<16xi32>
      %add3A_110 = arith.addi %scan3A_75, %add3A_109 : vector<16xi32>
      %min3A_111 = arith.constant 2047 : i32
      %min3A_112 = vector.broadcast %min3A_111 : i32 to vector<16xi32>
      %min3A_113 = arith.minsi %add3A_110, %min3A_112 : vector<16xi32>
      %gather3A_114 = tpu.vector_load_idx %arg8[%min3A_113] : memref<2048xf32, #tpu.memory_space<vmem>>[vector<16xi32>], vector<16xf32>,
      %add3A_115 = arith.constant 3.200000e+01 : f32
      %add3A_116 = vector.broadcast %add3A_115 : f32 to vector<16xf32>
      %add3A_117 = arith.addf %convert_element_type3A, %add3A_116 : vector<16xf32>
      %le3A_118 = arith.cmpf ole, %gather3A_114, %add3A_117 : vector<16xf32>
      %select_n3A_119 = arith.select %le3A_118, %min3A_113, %scan3A_75 : vector<16xi1>, vector<16xi32>
      %add3A_120 = vector.broadcast %shift_right_arithmetic3A_89 : i32 to vector<16xi32>
      %add3A_121 = arith.addi %scan3A_76, %add3A_120 : vector<16xi32>
      %min3A_122 = arith.constant 2047 : i32
      %min3A_123 = vector.broadcast %min3A_122 : i32 to vector<16xi32>
      %min3A_124 = arith.minsi %add3A_121, %min3A_123 : vector<16xi32>
      %gather3A_125 = tpu.vector_load_idx %arg8[%min3A_124] : memref<2048xf32, #tpu.memory_space<vmem>>[vector<16xi32>], vector<16xf32>,
      %add3A_126 = arith.constant 4.800000e+01 : f32
      %add3A_127 = vector.broadcast %add3A_126 : f32 to vector<16xf32>
      %add3A_128 = arith.addf %convert_element_type3A, %add3A_127 : vector<16xf32>
      %le3A_129 = arith.cmpf ole, %gather3A_125, %add3A_128 : vector<16xf32>
      %select_n3A_130 = arith.select %le3A_129, %min3A_124, %scan3A_76 : vector<16xi1>, vector<16xi32>
      %add3A_131 = vector.broadcast %shift_right_arithmetic3A_89 : i32 to vector<16xi32>
      %add3A_132 = arith.addi %scan3A_77, %add3A_131 : vector<16xi32>
      %min3A_133 = arith.constant 2047 : i32
      %min3A_134 = vector.broadcast %min3A_133 : i32 to vector<16xi32>
      %min3A_135 = arith.minsi %add3A_132, %min3A_134 : vector<16xi32>
      %gather3A_136 = tpu.vector_load_idx %arg8[%min3A_135] : memref<2048xf32, #tpu.memory_space<vmem>>[vector<16xi32>], vector<16xf32>,
      %add3A_137 = arith.constant 6.400000e+01 : f32
      %add3A_138 = vector.broadcast %add3A_137 : f32 to vector<16xf32>
      %add3A_139 = arith.addf %convert_element_type3A, %add3A_138 : vector<16xf32>
      %le3A_140 = arith.cmpf ole, %gather3A_136, %add3A_139 : vector<16xf32>
      %select_n3A_141 = arith.select %le3A_140, %min3A_135, %scan3A_77 : vector<16xi1>, vector<16xi32>
      %add3A_142 = vector.broadcast %shift_right_arithmetic3A_89 : i32 to vector<16xi32>
      %add3A_143 = arith.addi %scan3A_78, %add3A_142 : vector<16xi32>
      %min3A_144 = arith.constant 2047 : i32
      %min3A_145 = vector.broadcast %min3A_144 : i32 to vector<16xi32>
      %min3A_146 = arith.minsi %add3A_143, %min3A_145 : vector<16xi32>
      %gather3A_147 = tpu.vector_load_idx %arg8[%min3A_146] : memref<2048xf32, #tpu.memory_space<vmem>>[vector<16xi32>], vector<16xf32>,
      %add3A_148 = arith.constant 8.000000e+01 : f32
      %add3A_149 = vector.broadcast %add3A_148 : f32 to vector<16xf32>
      %add3A_150 = arith.addf %convert_element_type3A, %add3A_149 : vector<16xf32>
      %le3A_151 = arith.cmpf ole, %gather3A_147, %add3A_150 : vector<16xf32>
      %select_n3A_152 = arith.select %le3A_151, %min3A_146, %scan3A_78 : vector<16xi1>, vector<16xi32>
      %add3A_153 = vector.broadcast %shift_right_arithmetic3A_89 : i32 to vector<16xi32>
      %add3A_154 = arith.addi %scan3A_79, %add3A_153 : vector<16xi32>
      %min3A_155 = arith.constant 2047 : i32
      %min3A_156 = vector.broadcast %min3A_155 : i32 to vector<16xi32>
      %min3A_157 = arith.minsi %add3A_154, %min3A_156 : vector<16xi32>
      %gather3A_158 = tpu.vector_load_idx %arg8[%min3A_157] : memref<2048xf32, #tpu.memory_space<vmem>>[vector<16xi32>], vector<16xf32>,
      %add3A_159 = arith.constant 9.600000e+01 : f32
      %add3A_160 = vector.broadcast %add3A_159 : f32 to vector<16xf32>
      %add3A_161 = arith.addf %convert_element_type3A, %add3A_160 : vector<16xf32>
      %le3A_162 = arith.cmpf ole, %gather3A_158, %add3A_161 : vector<16xf32>
      %select_n3A_163 = arith.select %le3A_162, %min3A_157, %scan3A_79 : vector<16xi1>, vector<16xi32>
      %add3A_164 = vector.broadcast %shift_right_arithmetic3A_89 : i32 to vector<16xi32>
      %add3A_165 = arith.addi %scan3A_80, %add3A_164 : vector<16xi32>
      %min3A_166 = arith.constant 2047 : i32
      %min3A_167 = vector.broadcast %min3A_166 : i32 to vector<16xi32>
      %min3A_168 = arith.minsi %add3A_165, %min3A_167 : vector<16xi32>
      %gather3A_169 = tpu.vector_load_idx %arg8[%min3A_168] : memref<2048xf32, #tpu.memory_space<vmem>>[vector<16xi32>], vector<16xf32>,
      %add3A_170 = arith.constant 1.120000e+02 : f32
      %add3A_171 = vector.broadcast %add3A_170 : f32 to vector<16xf32>
      %add3A_172 = arith.addf %convert_element_type3A, %add3A_171 : vector<16xf32>
      %le3A_173 = arith.cmpf ole, %gather3A_169, %add3A_172 : vector<16xf32>
      %select_n3A_174 = arith.select %le3A_173, %min3A_168, %scan3A_80 : vector<16xi1>, vector<16xi32>
      %add3A_175 = vector.broadcast %shift_right_arithmetic3A_89 : i32 to vector<16xi32>
      %add3A_176 = arith.addi %scan3A_81, %add3A_175 : vector<16xi32>
      %min3A_177 = arith.constant 2047 : i32
      %min3A_178 = vector.broadcast %min3A_177 : i32 to vector<16xi32>
      %min3A_179 = arith.minsi %add3A_176, %min3A_178 : vector<16xi32>
      %gather3A_180 = tpu.vector_load_idx %arg8[%min3A_179] : memref<2048xf32, #tpu.memory_space<vmem>>[vector<16xi32>], vector<16xf32>,
      %add3A_181 = arith.constant 1.280000e+02 : f32
      %add3A_182 = vector.broadcast %add3A_181 : f32 to vector<16xf32>
      %add3A_183 = arith.addf %convert_element_type3A, %add3A_182 : vector<16xf32>
      %le3A_184 = arith.cmpf ole, %gather3A_180, %add3A_183 : vector<16xf32>
      %select_n3A_185 = arith.select %le3A_184, %min3A_179, %scan3A_81 : vector<16xi1>, vector<16xi32>
      %add3A_186 = vector.broadcast %shift_right_arithmetic3A_89 : i32 to vector<16xi32>
      %add3A_187 = arith.addi %scan3A_82, %add3A_186 : vector<16xi32>
      %min3A_188 = arith.constant 2047 : i32
      %min3A_189 = vector.broadcast %min3A_188 : i32 to vector<16xi32>
      %min3A_190 = arith.minsi %add3A_187, %min3A_189 : vector<16xi32>
      %gather3A_191 = tpu.vector_load_idx %arg8[%min3A_190] : memref<2048xf32, #tpu.memory_space<vmem>>[vector<16xi32>], vector<16xf32>,
      %add3A_192 = arith.constant 1.440000e+02 : f32
      %add3A_193 = vector.broadcast %add3A_192 : f32 to vector<16xf32>
      %add3A_194 = arith.addf %convert_element_type3A, %add3A_193 : vector<16xf32>
      %le3A_195 = arith.cmpf ole, %gather3A_191, %add3A_194 : vector<16xf32>
      %select_n3A_196 = arith.select %le3A_195, %min3A_190, %scan3A_82 : vector<16xi1>, vector<16xi32>
      %add3A_197 = vector.broadcast %shift_right_arithmetic3A_89 : i32 to vector<16xi32>
      %add3A_198 = arith.addi %scan3A_83, %add3A_197 : vector<16xi32>
      %min3A_199 = arith.constant 2047 : i32
      %min3A_200 = vector.broadcast %min3A_199 : i32 to vector<16xi32>
      %min3A_201 = arith.minsi %add3A_198, %min3A_200 : vector<16xi32>
      %gather3A_202 = tpu.vector_load_idx %arg8[%min3A_201] : memref<2048xf32, #tpu.memory_space<vmem>>[vector<16xi32>], vector<16xf32>,
      %add3A_203 = arith.constant 1.600000e+02 : f32
      %add3A_204 = vector.broadcast %add3A_203 : f32 to vector<16xf32>
      %add3A_205 = arith.addf %convert_element_type3A, %add3A_204 : vector<16xf32>
      %le3A_206 = arith.cmpf ole, %gather3A_202, %add3A_205 : vector<16xf32>
      %select_n3A_207 = arith.select %le3A_206, %min3A_201, %scan3A_83 : vector<16xi1>, vector<16xi32>
      %add3A_208 = vector.broadcast %shift_right_arithmetic3A_89 : i32 to vector<16xi32>
      %add3A_209 = arith.addi %scan3A_84, %add3A_208 : vector<16xi32>
      %min3A_210 = arith.constant 2047 : i32
      %min3A_211 = vector.broadcast %min3A_210 : i32 to vector<16xi32>
      %min3A_212 = arith.minsi %add3A_209, %min3A_211 : vector<16xi32>
      %gather3A_213 = tpu.vector_load_idx %arg8[%min3A_212] : memref<2048xf32, #tpu.memory_space<vmem>>[vector<16xi32>], vector<16xf32>,
      %add3A_214 = arith.constant 1.760000e+02 : f32
      %add3A_215 = vector.broadcast %add3A_214 : f32 to vector<16xf32>
      %add3A_216 = arith.addf %convert_element_type3A, %add3A_215 : vector<16xf32>
      %le3A_217 = arith.cmpf ole, %gather3A_213, %add3A_216 : vector<16xf32>
      %select_n3A_218 = arith.select %le3A_217, %min3A_212, %scan3A_84 : vector<16xi1>, vector<16xi32>
      %add3A_219 = vector.broadcast %shift_right_arithmetic3A_89 : i32 to vector<16xi32>
      %add3A_220 = arith.addi %scan3A_85, %add3A_219 : vector<16xi32>
      %min3A_221 = arith.constant 2047 : i32
      %min3A_222 = vector.broadcast %min3A_221 : i32 to vector<16xi32>
      %min3A_223 = arith.minsi %add3A_220, %min3A_222 : vector<16xi32>
      %gather3A_224 = tpu.vector_load_idx %arg8[%min3A_223] : memref<2048xf32, #tpu.memory_space<vmem>>[vector<16xi32>], vector<16xf32>,
      %add3A_225 = arith.constant 1.920000e+02 : f32
      %add3A_226 = vector.broadcast %add3A_225 : f32 to vector<16xf32>
      %add3A_227 = arith.addf %convert_element_type3A, %add3A_226 : vector<16xf32>
      %le3A_228 = arith.cmpf ole, %gather3A_224, %add3A_227 : vector<16xf32>
      %select_n3A_229 = arith.select %le3A_228, %min3A_223, %scan3A_85 : vector<16xi1>, vector<16xi32>
      %add3A_230 = vector.broadcast %shift_right_arithmetic3A_89 : i32 to vector<16xi32>
      %add3A_231 = arith.addi %scan3A_86, %add3A_230 : vector<16xi32>
      %min3A_232 = arith.constant 2047 : i32
      %min3A_233 = vector.broadcast %min3A_232 : i32 to vector<16xi32>
      %min3A_234 = arith.minsi %add3A_231, %min3A_233 : vector<16xi32>
      %gather3A_235 = tpu.vector_load_idx %arg8[%min3A_234] : memref<2048xf32, #tpu.memory_space<vmem>>[vector<16xi32>], vector<16xf32>,
      %add3A_236 = arith.constant 2.080000e+02 : f32
      %add3A_237 = vector.broadcast %add3A_236 : f32 to vector<16xf32>
      %add3A_238 = arith.addf %convert_element_type3A, %add3A_237 : vector<16xf32>
      %le3A_239 = arith.cmpf ole, %gather3A_235, %add3A_238 : vector<16xf32>
      %select_n3A_240 = arith.select %le3A_239, %min3A_234, %scan3A_86 : vector<16xi1>, vector<16xi32>
      %add3A_241 = vector.broadcast %shift_right_arithmetic3A_89 : i32 to vector<16xi32>
      %add3A_242 = arith.addi %scan3A_87, %add3A_241 : vector<16xi32>
      %min3A_243 = arith.constant 2047 : i32
      %min3A_244 = vector.broadcast %min3A_243 : i32 to vector<16xi32>
      %min3A_245 = arith.minsi %add3A_242, %min3A_244 : vector<16xi32>
      %gather3A_246 = tpu.vector_load_idx %arg8[%min3A_245] : memref<2048xf32, #tpu.memory_space<vmem>>[vector<16xi32>], vector<16xf32>,
      %add3A_247 = arith.constant 2.240000e+02 : f32
      %add3A_248 = vector.broadcast %add3A_247 : f32 to vector<16xf32>
      %add3A_249 = arith.addf %convert_element_type3A, %add3A_248 : vector<16xf32>
      %le3A_250 = arith.cmpf ole, %gather3A_246, %add3A_249 : vector<16xf32>
      %select_n3A_251 = arith.select %le3A_250, %min3A_245, %scan3A_87 : vector<16xi1>, vector<16xi32>
      %add3A_252 = vector.broadcast %shift_right_arithmetic3A_89 : i32 to vector<16xi32>
      %add3A_253 = arith.addi %scan3A_88, %add3A_252 : vector<16xi32>
      %min3A_254 = arith.constant 2047 : i32
      %min3A_255 = vector.broadcast %min3A_254 : i32 to vector<16xi32>
      %min3A_256 = arith.minsi %add3A_253, %min3A_255 : vector<16xi32>
      %gather3A_257 = tpu.vector_load_idx %arg8[%min3A_256] : memref<2048xf32, #tpu.memory_space<vmem>>[vector<16xi32>], vector<16xf32>,
      %add3A_258 = arith.constant 2.400000e+02 : f32
      %add3A_259 = vector.broadcast %add3A_258 : f32 to vector<16xf32>
      %add3A_260 = arith.addf %convert_element_type3A, %add3A_259 : vector<16xf32>
      %le3A_261 = arith.cmpf ole, %gather3A_257, %add3A_260 : vector<16xf32>
      %select_n3A_262 = arith.select %le3A_261, %min3A_256, %scan3A_88 : vector<16xi1>, vector<16xi32>
      scf.yield %select_n3A, %select_n3A_108, %select_n3A_119, %select_n3A_130, %select_n3A_141, %select_n3A_152, %select_n3A_163, %select_n3A_174, %select_n3A_185, %select_n3A_196, %select_n3A_207, %select_n3A_218, %select_n3A_229, %select_n3A_240, %select_n3A_251, %select_n3A_262 : vector<16xi32>, vector<16xi32>, vector<16xi32>, vector<16xi32>, vector<16xi32>, vector<16xi32>, vector<16xi32>, vector<16xi32>, vector<16xi32>, vector<16xi32>, vector<16xi32>, vector<16xi32>, vector<16xi32>, vector<16xi32>, vector<16xi32>, vector<16xi32>
    }
    %scan3A_13 = arith.constant 11 : i32
    %swap3A = arith.constant 0 : index
    %swap3A_14 = tpu.vector_load %arg12[%swap3A] {strides = array<i32>} : memref<256xi32, #tpu.memory_space<vmem>>, vector<16xi32>,
    tpu.vector_store %arg12[%swap3A], %scan3A_12#0 {strides = array<i32>} : memref<256xi32, #tpu.memory_space<vmem>>, vector<16xi32>,
    %swap3A_15 = arith.constant 16 : index
    %swap3A_16 = tpu.vector_load %arg12[%swap3A_15] {strides = array<i32>} : memref<256xi32, #tpu.memory_space<vmem>>, vector<16xi32>,
    tpu.vector_store %arg12[%swap3A_15], %scan3A_12#1 {strides = array<i32>} : memref<256xi32, #tpu.memory_space<vmem>>, vector<16xi32>,
    %swap3A_17 = arith.constant 32 : index
    %swap3A_18 = tpu.vector_load %arg12[%swap3A_17] {strides = array<i32>} : memref<256xi32, #tpu.memory_space<vmem>>, vector<16xi32>,
    tpu.vector_store %arg12[%swap3A_17], %scan3A_12#2 {strides = array<i32>} : memref<256xi32, #tpu.memory_space<vmem>>, vector<16xi32>,
    %swap3A_19 = arith.constant 48 : index
    %swap3A_20 = tpu.vector_load %arg12[%swap3A_19] {strides = array<i32>} : memref<256xi32, #tpu.memory_space<vmem>>, vector<16xi32>,
    tpu.vector_store %arg12[%swap3A_19], %scan3A_12#3 {strides = array<i32>} : memref<256xi32, #tpu.memory_space<vmem>>, vector<16xi32>,
    %swap3A_21 = arith.constant 64 : index
    %swap3A_22 = tpu.vector_load %arg12[%swap3A_21] {strides = array<i32>} : memref<256xi32, #tpu.memory_space<vmem>>, vector<16xi32>,
    tpu.vector_store %arg12[%swap3A_21], %scan3A_12#4 {strides = array<i32>} : memref<256xi32, #tpu.memory_space<vmem>>, vector<16xi32>,
    %swap3A_23 = arith.constant 80 : index
    %swap3A_24 = tpu.vector_load %arg12[%swap3A_23] {strides = array<i32>} : memref<256xi32, #tpu.memory_space<vmem>>, vector<16xi32>,
    tpu.vector_store %arg12[%swap3A_23], %scan3A_12#5 {strides = array<i32>} : memref<256xi32, #tpu.memory_space<vmem>>, vector<16xi32>,
    %swap3A_25 = arith.constant 96 : index
    %swap3A_26 = tpu.vector_load %arg12[%swap3A_25] {strides = array<i32>} : memref<256xi32, #tpu.memory_space<vmem>>, vector<16xi32>,
    tpu.vector_store %arg12[%swap3A_25], %scan3A_12#6 {strides = array<i32>} : memref<256xi32, #tpu.memory_space<vmem>>, vector<16xi32>,
    %swap3A_27 = arith.constant 112 : index
    %swap3A_28 = tpu.vector_load %arg12[%swap3A_27] {strides = array<i32>} : memref<256xi32, #tpu.memory_space<vmem>>, vector<16xi32>,
    tpu.vector_store %arg12[%swap3A_27], %scan3A_12#7 {strides = array<i32>} : memref<256xi32, #tpu.memory_space<vmem>>, vector<16xi32>,
    %swap3A_29 = arith.constant 128 : index
    %swap3A_30 = tpu.vector_load %arg12[%swap3A_29] {strides = array<i32>} : memref<256xi32, #tpu.memory_space<vmem>>, vector<16xi32>,
    tpu.vector_store %arg12[%swap3A_29], %scan3A_12#8 {strides = array<i32>} : memref<256xi32, #tpu.memory_space<vmem>>, vector<16xi32>,
    %swap3A_31 = arith.constant 144 : index
    %swap3A_32 = tpu.vector_load %arg12[%swap3A_31] {strides = array<i32>} : memref<256xi32, #tpu.memory_space<vmem>>, vector<16xi32>,
    tpu.vector_store %arg12[%swap3A_31], %scan3A_12#9 {strides = array<i32>} : memref<256xi32, #tpu.memory_space<vmem>>, vector<16xi32>,
    %swap3A_33 = arith.constant 160 : index
    %swap3A_34 = tpu.vector_load %arg12[%swap3A_33] {strides = array<i32>} : memref<256xi32, #tpu.memory_space<vmem>>, vector<16xi32>,
    tpu.vector_store %arg12[%swap3A_33], %scan3A_12#10 {strides = array<i32>} : memref<256xi32, #tpu.memory_space<vmem>>, vector<16xi32>,
    %swap3A_35 = arith.constant 176 : index
    %swap3A_36 = tpu.vector_load %arg12[%swap3A_35] {strides = array<i32>} : memref<256xi32, #tpu.memory_space<vmem>>, vector<16xi32>,
    tpu.vector_store %arg12[%swap3A_35], %scan3A_12#11 {strides = array<i32>} : memref<256xi32, #tpu.memory_space<vmem>>, vector<16xi32>,
    %swap3A_37 = arith.constant 192 : index
    %swap3A_38 = tpu.vector_load %arg12[%swap3A_37] {strides = array<i32>} : memref<256xi32, #tpu.memory_space<vmem>>, vector<16xi32>,
    tpu.vector_store %arg12[%swap3A_37], %scan3A_12#12 {strides = array<i32>} : memref<256xi32, #tpu.memory_space<vmem>>, vector<16xi32>,
    %swap3A_39 = arith.constant 208 : index
    %swap3A_40 = tpu.vector_load %arg12[%swap3A_39] {strides = array<i32>} : memref<256xi32, #tpu.memory_space<vmem>>, vector<16xi32>,
    tpu.vector_store %arg12[%swap3A_39], %scan3A_12#13 {strides = array<i32>} : memref<256xi32, #tpu.memory_space<vmem>>, vector<16xi32>,
    %swap3A_41 = arith.constant 224 : index
    %swap3A_42 = tpu.vector_load %arg12[%swap3A_41] {strides = array<i32>} : memref<256xi32, #tpu.memory_space<vmem>>, vector<16xi32>,
    tpu.vector_store %arg12[%swap3A_41], %scan3A_12#14 {strides = array<i32>} : memref<256xi32, #tpu.memory_space<vmem>>, vector<16xi32>,
    %swap3A_43 = arith.constant 240 : index
    %swap3A_44 = tpu.vector_load %arg12[%swap3A_43] {strides = array<i32>} : memref<256xi32, #tpu.memory_space<vmem>>, vector<16xi32>,
    tpu.vector_store %arg12[%swap3A_43], %scan3A_12#15 {strides = array<i32>} : memref<256xi32, #tpu.memory_space<vmem>>, vector<16xi32>,
    tpu.wait_dma2 semaphore(%arg14 : memref<!tpu.dma_semaphore, #tpu.memory_space<semaphore_mem>>) src(%arg2 : memref<2048xf32, #tpu.memory_space<hbm>>) dst(%arg7 : memref<2048xf32, #tpu.memory_space<vmem>>)
    %dma_wait3A = tpu.memref_slice %arg4[%mul3A_2] : memref<8192xf32, #tpu.memory_space<hbm>> -> memref<256xf32, #tpu.memory_space<hbm>>
    %dma_wait3A_45 = tpu.memref_slice %arg4[%mul3A_2] : memref<8192xf32, #tpu.memory_space<hbm>> -> memref<256xf32, #tpu.memory_space<hbm>>
    tpu.wait_dma2 semaphore(%arg14 : memref<!tpu.dma_semaphore, #tpu.memory_space<semaphore_mem>>) src(%dma_wait3A_45 : memref<256xf32, #tpu.memory_space<hbm>>) dst(%arg9 : memref<256xf32, #tpu.memory_space<vmem>>)
    %dma_wait3A_46 = tpu.memref_slice %arg5[%mul3A_2] : memref<8192xf32, #tpu.memory_space<hbm>> -> memref<256xf32, #tpu.memory_space<hbm>>
    %dma_wait3A_47 = tpu.memref_slice %arg5[%mul3A_2] : memref<8192xf32, #tpu.memory_space<hbm>> -> memref<256xf32, #tpu.memory_space<hbm>>
    tpu.wait_dma2 semaphore(%arg14 : memref<!tpu.dma_semaphore, #tpu.memory_space<semaphore_mem>>) src(%dma_wait3A_47 : memref<256xf32, #tpu.memory_space<hbm>>) dst(%arg10 : memref<256xf32, #tpu.memory_space<vmem>>)
    %add3A_48 = arith.constant 2047 : i32
    %add3A_49 = vector.broadcast %add3A_48 : i32 to vector<16xi32>
    %add3A_50 = arith.addi %broadcast_in_dim3A_6, %add3A_49 : vector<16xi32>
    %gather3A = tpu.vector_load_idx %arg7[%add3A_50] : memref<2048xf32, #tpu.memory_space<vmem>>[vector<16xi32>], vector<16xf32>,
    %sub3A = arith.constant 1 : i32
    %sub3A_51 = vector.broadcast %sub3A : i32 to vector<16xi32>
    %sub3A_52 = arith.subi %add3A_50, %sub3A_51 : vector<16xi32>
    %gather3A_53 = tpu.vector_load_idx %arg7[%sub3A_52] : memref<2048xf32, #tpu.memory_space<vmem>>[vector<16xi32>], vector<16xf32>,
    %gather3A_54 = tpu.vector_load_idx %arg8[%add3A_50] : memref<2048xf32, #tpu.memory_space<vmem>>[vector<16xi32>], vector<16xf32>,
    %sub3A_55 = arith.constant 1 : i32
    %sub3A_56 = vector.broadcast %sub3A_55 : i32 to vector<16xi32>
    %sub3A_57 = arith.subi %add3A_50, %sub3A_56 : vector<16xi32>
    %gather3A_58 = tpu.vector_load_idx %arg8[%sub3A_57] : memref<2048xf32, #tpu.memory_space<vmem>>[vector<16xi32>], vector<16xf32>,
    %sub3A_59 = arith.subf %gather3A, %gather3A_53 : vector<16xf32>
    %sub3A_60 = arith.subf %gather3A_54, %gather3A_58 : vector<16xf32>
    %div3A = arith.divf %sub3A_59, %sub3A_60 : vector<16xf32>
    %sub3A_61 = arith.constant 8.191000e+03 : f32
    %sub3A_62 = vector.broadcast %sub3A_61 : f32 to vector<16xf32>
    %sub3A_63 = arith.subf %sub3A_62, %gather3A_54 : vector<16xf32>
    %mul3A_64 = arith.mulf %div3A, %sub3A_63 : vector<16xf32>
    %add3A_65 = arith.addf %gather3A, %mul3A_64 : vector<16xf32>
    %scan3A_66 = arith.constant 0 : i32
    %scan3A_67 = arith.constant 0 : i32
    %scan3A_68 = arith.constant 16 : i32
    %scan3A_69 = arith.addi %scan3A_67, %scan3A_68 : i32
    %scan3A_70 = arith.constant 1 : i32
    scf.for %scan3A_72 = %scan3A_67 to %scan3A_69 step %scan3A_70  : i32 {
      %mul3A_73 = arith.constant 16 : i32
      %mul3A_74 = arith.muli %scan3A_72, %mul3A_73 : i32
      %get3A = arith.index_cast %mul3A_74 : i32 to index
      %get3A_75 = tpu.vector_load %arg12[%get3A] {strides = array<i32>} : memref<256xi32, #tpu.memory_space<vmem>>, vector<16xi32>,
      %add3A_76 = arith.constant 1 : i32
      %add3A_77 = vector.broadcast %add3A_76 : i32 to vector<16xi32>
      %add3A_78 = arith.addi %get3A_75, %add3A_77 : vector<16xi32>
      %gather3A_79 = tpu.vector_load_idx %arg7[%get3A_75] : memref<2048xf32, #tpu.memory_space<vmem>>[vector<16xi32>], vector<16xf32>,
      %gt3A = arith.constant 2047 : i32
      %gt3A_80 = vector.broadcast %gt3A : i32 to vector<16xi32>
      %gt3A_81 = arith.cmpi sgt, %add3A_78, %gt3A_80 : vector<16xi32>
      %min3A = arith.constant 2047 : i32
      %min3A_82 = vector.broadcast %min3A : i32 to vector<16xi32>
      %min3A_83 = arith.minsi %add3A_78, %min3A_82 : vector<16xi32>
      %gather3A_84 = tpu.vector_load_idx %arg7[%min3A_83] : memref<2048xf32, #tpu.memory_space<vmem>>[vector<16xi32>], vector<16xf32>,
      %select_n3A = arith.select %gt3A_81, %add3A_65, %gather3A_84 : vector<16xi1>, vector<16xf32>
      %get3A_85 = arith.index_cast %mul3A_74 : i32 to index
      %get3A_86 = tpu.vector_load %arg9[%get3A_85] {strides = array<i32>} : memref<256xf32, #tpu.memory_space<vmem>>, vector<16xf32>,
      %mul3A_87 = arith.mulf %get3A_86, %select_n3A : vector<16xf32>
      %get3A_88 = arith.index_cast %mul3A_74 : i32 to index
      %get3A_89 = tpu.vector_load %arg10[%get3A_88] {strides = array<i32>} : memref<256xf32, #tpu.memory_space<vmem>>, vector<16xf32>,
      %mul3A_90 = arith.mulf %get3A_89, %gather3A_79 : vector<16xf32>
      %add3A_91 = arith.addf %mul3A_87, %mul3A_90 : vector<16xf32>
      %swap3A_92 = arith.index_cast %mul3A_74 : i32 to index
      %swap3A_93 = tpu.vector_load %arg11[%swap3A_92] {strides = array<i32>} : memref<256xf32, #tpu.memory_space<vmem>>, vector<16xf32>,
      tpu.vector_store %arg11[%swap3A_92], %add3A_91 {strides = array<i32>} : memref<256xf32, #tpu.memory_space<vmem>>, vector<16xf32>,
    }
    %scan3A_71 = arith.constant 16 : i32
    "tpu.region"() ({
      %run_scoped3A = tpu.sem_alloc : memref<!tpu.dma_semaphore, #tpu.memory_space<semaphore_mem>>
      %dma_start3A_72 = tpu.memref_slice %arg6[%mul3A_2] : memref<8192xf32, #tpu.memory_space<hbm>> -> memref<256xf32, #tpu.memory_space<hbm>>
      %dma_start3A_73 = tpu.memref_slice %arg6[%mul3A_2] : memref<8192xf32, #tpu.memory_space<hbm>> -> memref<256xf32, #tpu.memory_space<hbm>>
      tpu.enqueue_dma source(%arg11 : memref<256xf32, #tpu.memory_space<vmem>>) target(%dma_start3A_73 : memref<256xf32, #tpu.memory_space<hbm>>) target_semaphore(%run_scoped3A : memref<!tpu.dma_semaphore, #tpu.memory_space<semaphore_mem>>)
      %dma_wait3A_74 = tpu.memref_slice %arg6[%mul3A_2] : memref<8192xf32, #tpu.memory_space<hbm>> -> memref<256xf32, #tpu.memory_space<hbm>>
      %dma_wait3A_75 = tpu.memref_slice %arg6[%mul3A_2] : memref<8192xf32, #tpu.memory_space<hbm>> -> memref<256xf32, #tpu.memory_space<hbm>>
      tpu.wait_dma2 semaphore(%run_scoped3A : memref<!tpu.dma_semaphore, #tpu.memory_space<semaphore_mem>>) src(%arg11 : memref<256xf32, #tpu.memory_space<vmem>>) dst(%dma_wait3A_75 : memref<256xf32, #tpu.memory_space<hbm>>)
      tpu.yield
    }) : () -> ()
    return
  }
}

</mosaic_0001>

<sc_bundles>
// kernel: kernel.3.cloned.1.call-start
scs
__scs_entry_jumppad:
0x0: {  	(pc) =	sbr.rel $0x88, $3  }
0x1: {  	(tag) =	ssettag $0x0;
	lr =	simm.s32 $0x1  }
0x2: {  	[smem:$0x3F9D] =	sst lr;
	_ =	strace $0xD0000000  }
0x3: {  	_ = 	snop  }
0x4: {  	_ = 	snop  }
0x5: {  	_ = 	snop  }
0x6: {  	_ = 	snop  }
0x7: {  	_ = 	snop  }
__scs_overlays_trampoline_lowered:
0x8: {  	[smem:$0x3FAC] =	sst s0  }
0x9: {  	[smem:$0x3FAD] =	sst s1  }
0xa: {  	[smem:$0x3FAE] =	sst s2  }
0xb: {  	[smem:$0x3FAF] =	sst s3  }
0xc: {  	[smem:$0x3FB0] =	sst s4  }
0xd: {  	[smem:$0x3FB1] =	sst s5  }
0xe: {  	[smem:$0x3FB2] =	sst s6  }
0xf: {  	[smem:$0x3FB3] =	sst s7  }
0x10: {  	[smem:$0x3FB4] =	sst s8  }
0x11: {  	[smem:$0x3FB5] =	sst s9;
	s0 =	simm.s32 @!p0 $0x0  }
0x12: {  	s1 =	sld [smem:$0x3F9B];
	s0 =	simm.s32 @p0 $0x1  }
0x13: {  	[smem:$0x3FB6] =	sst s0;
	s0 =	simm.s32 @!p1 $0x0  }
0x14: {  	s2 =	sld [smem:$0x3F9A];
	s0 =	simm.s32 @p1 $0x1  }
0x15: {  	[smem:$0x3FB7] =	sst s0;
	s0 =	simm.s32 @!p2 $0x0  }
0x16: {  	s3 =	sld [smem:$0x3FDB];
	s0 =	simm.s32 @p2 $0x1  }
0x17: {  	s4 =	simm.s32 $0x1BF5;
	[smem:$0x3FB9] =	sst s0  }
0x18: {  	s0 =	sld [smem:$0x3F9C];
	_ =	swait.ge [sflag:s4], $0x0  }
0x19: {  	s7 =	sld [smem:$0x3F9D]  }
0x1a: {  	s8 =	sadd.s32 $0xFFFFE003, lr  }
0x1b: {  	s9 =	sadd.s32 $0xFFFFFEF7, lr;
	s5 =	simm.s32 $0xFFFFFFFF;
	p2 =	slt.u32 s8, $0xFFFFF086  }
0x1c: {  	p1 =	slt.u32 s9, $0xF7A;
	s5 =	simm.s32 @!p2 $0x0  }
0x1d: {  	s5 =	simm.s32 @p1 $0x1;
	p0 =	seq.s32 s7, s2  }
0x1e: {  	s7 =	smul.u32 @!p0 $0xF7A, s2;
	p2 =	seq.s32 @!p0 s5, $0x0  }
0x1f: {  	s9 =	smul.u32 $0xF7A, s1;
	s8 =	simm.s32 @!p0 $0x1BF5;
	p2 =	por !p2, p0  }
0x20: {  	[sflag:s8] =	ssyncset.s32 @!p0 $0xFFFFF086;
	s6 =	sadd.s32 @!p0 s3, s7;
	s7 =	simm.s32 @!p0 $0x108  }
0x21: {  	s3 =	sadd.s32 s3, s9;
	s6 =	sadd.s32 @!p0 $0x88, s6;
	s7 =	simm.s32 @p2 $0x1082  }
0x22: {  	[simem:s7], [sflag:s8] =	dma.local @!p0 [hbm:s6], $0xF7A  }
0x23: {  	s9 =	sor.u32 $0xD0000000, s2;
	s6 =	simm.s32 $0x108;
	_ =	swait.ge @!p0 [sflag:s8], $0x0  }
0x24: {  	s3 =	sadd.s32 $0x88, s3;
	s6 =	simm.s32 @!p1 $0x1082;
	[sflag:s4] =	ssyncset.s32 $0xFFFFF086  }
0x25: {  	[simem:s6], [sflag:s4] =	dma.local [hbm:s3], $0xF7A  }
0x26: {  	[smem:$0x3F9D] =	sst s1;
	(tag) =	ssettag s2;
	_ =	strace s9  }
0x27: {  	s1 =	sld [smem:$0x3FAD]  }
0x28: {  	s2 =	sld [smem:$0x3FAE]  }
0x29: {  	s4 =	sld [smem:$0x3FB0]  }
0x2a: {  	p0 =	seq.s32 s5, $0x0;
	s5 =	sld [smem:$0x3FB1]  }
0x2b: {  	s6 =	sld [smem:$0x3FB2]  }
0x2c: {  	s7 =	sld [smem:$0x3FB3]  }
0x2d: {  	s3 =	simm.s32 $0x108;
	s8 =	sld [smem:$0x3FB4]  }
0x2e: {  	s3 =	simm.s32 @!p0 $0x1082;
	s9 =	sld [smem:$0x3FB5]  }
0x2f: {  	lr =	sadd.s32 s0, s3;
	s0 =	sld [smem:$0x3FAC]  }
0x30: {  	s3 =	sld [smem:$0x3FAF]  }
0x31: {  	[smem:$0x3FB8] =	sst s10  }
0x32: {  	s10 =	sld [smem:$0x3FB6];
	_ =	sdelay $0x3  }
0x33: {  	p0 =	seq.s32 s10, $0x1;
	s10 =	sld [smem:$0x3FB8];
	_ =	sdelay $0x3  }
0x34: {  	[smem:$0x3FB8] =	sst s10  }
0x35: {  	s10 =	sld [smem:$0x3FB7];
	_ =	sdelay $0x3  }
0x36: {  	p1 =	seq.s32 s10, $0x1;
	s10 =	sld [smem:$0x3FB8];
	_ =	sdelay $0x3  }
0x37: {  	[smem:$0x3FB8] =	sst s10  }
0x38: {  	s10 =	sld [smem:$0x3FB9]  }
0x39: {  	_ = 	snop;
	(pc) =	sbr.ind lr, $3  }
0x3a: {  	_ = 	snop  }
0x3b: {  	_ = 	snop  }
0x3c: {  	p2 =	seq.s32 s10, $0x1;
	s10 =	sld [smem:$0x3FB8]  }
0x3d: {  	_ =	shalt  }
0x3e: {  	_ =	shalt  }
0x3f: {  	_ =	shalt  }
0x40: {  	_ =	shalt  }
0x41: {  	_ =	shalt  }
0x42: {  	_ =	shalt  }
0x43: {  	_ =	shalt  }
0x44: {  	_ =	shalt  }
0x45: {  	_ =	shalt  }
0x46: {  	_ =	shalt  }
0x47: {  	_ =	shalt  }
0x48: {  	_ =	shalt  }
0x49: {  	_ =	shalt  }
0x4a: {  	_ =	shalt  }
0x4b: {  	_ =	shalt  }
0x4c: {  	_ =	shalt  }
0x4d: {  	_ =	shalt  }
0x4e: {  	_ =	shalt  }
0x4f: {  	_ =	shalt  }
0x50: {  	_ =	shalt  }
0x51: {  	_ =	shalt  }
0x52: {  	_ =	shalt  }
0x53: {  	_ =	shalt  }
0x54: {  	_ =	shalt  }
0x55: {  	_ =	shalt  }
0x56: {  	_ =	shalt  }
0x57: {  	_ =	shalt  }
0x58: {  	_ =	shalt  }
0x59: {  	_ =	shalt  }
0x5a: {  	_ =	shalt  }
0x5b: {  	_ =	shalt  }
0x5c: {  	_ =	shalt  }
0x5d: {  	_ =	shalt  }
0x5e: {  	_ =	shalt  }
0x5f: {  	_ =	shalt  }
0x60: {  	_ =	shalt  }
0x61: {  	_ =	shalt  }
0x62: {  	_ =	shalt  }
0x63: {  	_ =	shalt  }
0x64: {  	_ =	shalt  }
0x65: {  	_ =	shalt  }
0x66: {  	_ =	shalt  }
0x67: {  	_ =	shalt  }
0x68: {  	_ =	shalt  }
0x69: {  	_ =	shalt  }
0x6a: {  	_ =	shalt  }
0x6b: {  	_ =	shalt  }
0x6c: {  	_ =	shalt  }
0x6d: {  	_ =	shalt  }
0x6e: {  	_ =	shalt  }
0x6f: {  	_ =	shalt  }
0x70: {  	_ =	shalt  }
0x71: {  	_ =	shalt  }
0x72: {  	_ =	shalt  }
0x73: {  	_ =	shalt  }
0x74: {  	_ =	shalt  }
0x75: {  	_ =	shalt  }
0x76: {  	_ =	shalt  }
0x77: {  	_ =	shalt  }
0x78: {  	_ =	shalt  }
0x79: {  	_ =	shalt  }
0x7a: {  	_ =	shalt  }
0x7b: {  	_ =	shalt  }
0x7c: {  	_ =	shalt  }
0x7d: {  	_ =	shalt  }
0x7e: {  	_ =	shalt  }
0x7f: {  	_ =	shalt  }
0x80: {  	_ =	shalt  }
0x81: {  	_ =	shalt  }
0x82: {  	_ =	shalt  }
0x83: {  	_ =	shalt  }
0x84: {  	_ =	shalt  }
0x85: {  	_ =	shalt  }
0x86: {  	_ =	shalt  }
0x87: {  	_ =	shalt  }
.Lfunc_end0:
.L_simem_size_0:
called_computation_lowered:
.L_overlay_start_0:
0x88: {  	s2 =	sld [smem:$0x3FD9]  }
0x89: {  	s3 =	sld [smem:$0x3FFE];
	_ =	sdelay $0x1  }
0x8a: {  	s1 =	srdreg.scid  }
0x8b: {  	s0 =	sand.u32 $0x1, s1  }
0x8c: {  	s18 =	sshll.u32 s0, $0xA;
	s2 =	sadd.s32 s3, s2  }
0x8d: {  	s2 =	sadd.s32 s2, s18  }
0x8e: {  	[smem:$0x3FC4] =	sst s2  }
0x8f: {  	_ = 	snop  }
0x90: {  	s2 =	sld [smem:$0x3FC9]  }
0x91: {  	s19 =	sld [smem:$0x3FC8]  }
0x92: {  	s4 =	sld [smem:$0x3FC7]  }
0x93: {  	s5 =	sld [smem:$0x3FC6]  }
0x94: {  	s6 =	sld [smem:$0x3FD0];
	(tm) =	ssettm $0x1  }
0x95: {  	s7 =	sld [smem:$0x3FFB];
	_ =	sdelay $0x3  }
0x96: {  	_ =	strace s7  }
0x97: {  	s7 =	sld [smem:$0x3FFC];
	_ =	sdelay $0x3  }
0x98: {  	_ =	strace s7  }
0x99: {  	s7 =	sld [smem:$0x3FFD];
	_ =	sdelay $0x3  }
0x9a: {  	_ =	strace s7  }
0x9b: {  	_ =	strace $0x8FFFFFFF  }
0x9c: {  	s20 =	sld [smem:$0x3FDB];
	_ =	sdelay $0x1  }
0x9d: {  	s8 =	simm.s32 $_scs_section_size  }
0x9e: {  	s9 =	simm.s32 $_size__tile_overlayer_lowered;
	s10 =	simm.s32 $_tile_overlayer_lowered  }
0x9f: {  	s23 =	simm.s32 $0x1BFF;
	s22 =	sshll.u32 s10, $0x1;
	s7 =	sadd.s32 s8, s20  }
0xa0: {  	s11 =	simm.s32 $0x0;
	s21 =	sshll.u32 s9, $0x1;
	s9 =	sadd.s32 s22, s7  }
0xa1: {  	[timem:s11], [sflag:s23] =	dma.local [hbm:s9], s21  }
0xa2: {  	_ =	swait.ge [sflag:s23], s21  }
0xa3: {  	s8 =	ssub.s32 $0x0, s21;
	[sflag:s23] =	ssyncset.done $0x0  }
0xa4: {  	[sflag:s23] =	ssyncadd.s32 s8;
	_ =	sdelay $0x1  }
0xa5: {  	s24 =	simm.s32 $0x1B8B  }
0xa6: {  	_ =	swait.ge [sflag:s24], $0x1  }
0xa7: {  	[sflag:s24] =	ssyncset.done $0x0  }
0xa8: {  	s25 =	simm.s32 $0x1B8E;
	[sflag:s24] =	ssyncadd.s32 $0xFFFFFFFF  }
0xa9: {  	s26 =	simm.s32 $execute0_lowered;
	[smem:$0x3FD2] =	sst s25  }
0xaa: {  	s8 =	sshll.u32 s26, $0x1;
	_ =	strace $0x80000046;
	[dreg:$0x1] =	wrdreg $0xFFFFFFFF  }
0xab: {  	s28 =	simm.s32 $_size_execute0_lowered;
	s7 =	sadd.s32 s7, s8;
	[dreg:$0x0] =	wrdreg $0x0  }
0xac: {  	s8 =	sshll.u32 s28, $0x1;
	[dreg:$0x2] =	wrdreg s7  }
0xad: {  	[dreg:$0x3] =	wrdreg s8  }
0xae: {  	[dreg:$0x4] =	wrdreg $0xC0  }
0xaf: {  	_ =	task [dreg:s11], $0x5FFFF  }
0xb0: {  	[dreg:$0x1] =	wrdreg $0xFFFFFFFF  }
0xb1: {  	[dreg:$0x0] =	wrdreg $0x60  }
0xb2: {  	[dreg:$0x2] =	wrdreg s2  }
0xb3: {  	[dreg:$0x3] =	wrdreg s19  }
0xb4: {  	[dreg:$0x4] =	wrdreg s4  }
0xb5: {  	[dreg:$0x5] =	wrdreg s5  }
0xb6: {  	[dreg:$0x6] =	wrdreg s6  }
0xb7: {  	[dreg:$0x7] =	wrdreg $0x9  }
0xb8: {  	_ =	task.clear_ibuf [dreg:s11], $0x8FFFF;
	_ =	strace $0x90000046  }
0xb9: {  	s29 =	simm.s32 $0x9;
	_ =	strace $0x80000048  }
0xba: {  	_ =	swait.ge [sflag:s29], $0x1  }
0xbb: {  	[sflag:s29] =	ssyncadd.s32 $0xFFFFFFFF  }
0xbc: {  	_ =	strace $0x90000048  }
0xbd: {  	_ =	sfence  }
0xbe: {  	s30 =	sld [smem:$0x0];
	_ =	sdelay $0x2  }
0xbf: {  	s31 =	sshll.u32 s1, $0xD;
	s1 =	sshrl.u32 s1, $0x2  }
0xc0: {  	s3 =	sand.u32 $0x4000, s31;
	s1 =	sadd.s32 s1, s30  }
0xc1: {  	s0 =	sor.u32 s3, s0;
	s1 =	sshll.u32 s1, $0x11  }
0xc2: {  	s0 =	sor.u32 s1, s0  }
0xc3: {  	s0 =	sadd.s32 $0x8F2B, s0  }
0xc4: {  	[sflag:s0] =	ssyncadd.remote.s32 $0x1  }
0xc5: {  	_ =	sfence.sel $0xFFFF  }
0xc6: {  	[dreg:$0x0] =	wrdreg $0xFFFFFFFF;
	(pc) =	sbr.abs _section_cstart, $3  }
0xc7: {  	[dreg:$0x1] =	wrdreg $0xFFFFFFFF  }
0xc8: {  	_ =	task.clear_ibuf [dreg:s11], $0x2FFFF;
	_ =	strace $0x9FFFFFFF  }
0xc9: {  	(tm) =	ssettm $0x7FFFFFFF  }
tec
execute0_lowered:
.L_overlay_start_1:
0x0: {  	(tag) =	ssettag $0x1  }
0x1: {  	s1 =	srdreg.scid  }
0x2: {  	s0 =	stileid.u32;
	s5 =	sand.u32 $0x1, s1  }
0x3: {  	s2 =	sshll.u32 s0, $0x9;
	s3 =	sshll.u32 s5, $0x8  }
0x4: {  	v0 =	vlaneseq.u32;
	s6 =	sor.u32 s3, s2  }
0x5: {  	v0 =	vor.u32 s6, v0  }
0x6: {  	s7 =	rddreg [dreg:$0x2];
	v0 =	vcvt.s32.f32 v0  }
0x7: {  	s8 =	rddreg [dreg:$0x3]  }
0x8: {  	s9 =	rddreg [dreg:$0x4];
	s4 =	simm.s32 $0x0;
	s12 =	simm.s32 $0x1;
	v1 =	vadd.f32 $1.600000000e+01, v0  }
0x9: {  	s13 =	simm.s32 $0x400;
	s14 =	simm.s32 $0x2;
	s1 =	rddreg [dreg:$0x0];
	v2 =	vadd.f32 $3.200000000e+01, v0;
	v3 =	vadd.f32 $4.800000000e+01, v0  }
0xa: {  	s15 =	simm.s32 $0x1200;
	s16 =	simm.s32 $0x3;
	[smem:$0x7FF] =	sst s4;
	v4 =	vadd.f32 $6.400000000e+01, v0;
	v5 =	vadd.f32 $8.000000000e+01, v0  }
0xb: {  	s17 =	simm.s32 $0x0;
	s5 =	ssub.s32 $0x2, s5;
	s2 =	rddreg [dreg:$0x1];
	v6 =	vadd.f32 $9.600000000e+01, v0;
	v7 =	vadd.f32 $1.120000000e+02, v0  }
0xc: {  	s3 =	rddreg [dreg:$0x5];
	s10 =	sshrl.u32 s5, $0x1;
	s11 =	sshrl.u32 s6, $0x3;
	v8 =	vadd.f32 $1.280000000e+02, v0;
	v9 =	vadd.f32 $1.440000000e+02, v0  }
0xd: {  	_ =	strace $0x80000047;
	s10 =	ssub.s32 s5, s10;
	s5 =	sadd.s32 s7, s11;
	v10 =	vadd.f32 $1.600000000e+02, v0;
	v11 =	vadd.f32 $1.760000000e+02, v0  }
0xe: {  	v16 =	vimm.s32 $0x7FF;
	s6 =	sadd.s32 s8, s11;
	s7 =	sadd.s32 s9, s11;
	s8 =	smax.u32 s10, $0x1;
	v12 =	vadd.f32 $1.920000000e+02, v0;
	v15 =	vadd.f32 $2.400000000e+02, v0  }
0xf: {  	v17 =	vimm.s32 $0x7FE;
	s9 =	simm.s32 $0x800;
	s10 =	simm.s32 $0x1000;
	s11 =	simm.s32 $0x1100;
	v13 =	vadd.f32 $2.080000000e+02, v0;
	v14 =	vadd.f32 $2.240000000e+02, v0  }
.LBB2_1:
0x10: {  	[tilespmem:s9], [sflag:$0x1] =	stream.linear.gather [hbm4b:s2+s4], $0x800, $0x38;
	[tilespmem:$0x1400] =	vst v63  }
0x11: {  	s18 =	simm.s32 $0x400  }
0x12: {  	v18 =	vimm.s32 $0x0;
	[tilespmem:s4], [sflag:$0x2] =	stream.linear.gather [hbm4b:s1+s4], $0x800, $0x38;
	[tilespmem:$0x1400] =	vst v63  }
0x13: {  	v19 =	vadd.s32 s18, v18  }
0x14: {  	vm0 =	vlt.s32 v19, $0x7FF;
	[tilespmem:s10], [sflag:$0x2] =	stream.linear.gather [hbm4b:s5+s4], $0x100, $0x38;
	[tilespmem:$0x1400] =	vst v63  }
0x15: {  	v23 =	vnsel vm0, $0x7FF, v19  }
0x16: {  	[tilespmem:s11], [sflag:$0x2] =	stream.linear.gather [hbm4b:s6+s4], $0x100, $0x38;
	[tilespmem:$0x1400] =	vst v63  }
0x17: {  	_ =	swait.ge [sflag:s12], $0x800  }
0x18: {  	[sflag:s12] =	ssyncset.done $0x0  }
0x19: {  	[sflag:s12] =	ssyncadd.s32 $0xFFFFF800  }
0x1a: {  	v19 =	vld.idx.msk [tilespmem:v23+s9+$0x0], $0xffff  }
0x1b: {  	v20 =	vld.idx.msk [tilespmem:v23+s9+$0x0], $0xffff  }
0x1c: {  	v29 =	vld.idx.msk [tilespmem:v23+s9+$0x0], $0xffff  }
0x1d: {  	v21 =	vld.idx.msk [tilespmem:v23+s9+$0x0], $0xffff  }
0x1e: {  	v25 =	vld.idx.msk [tilespmem:v23+s9+$0x0], $0xffff  }
0x1f: {  	v32 =	vimm.s32 $0x0;
	v30 =	vimm.s32 $0x0;
	v22 =	vld.idx.msk [tilespmem:v23+s9+$0x0], $0xffff  }
0x20: {  	v31 =	vimm.s32 $0x0;
	v36 =	vimm.s32 $0x0;
	v34 =	vimm.s32 $0x0;
	v33 =	vmovc v23;
	v37 =	vmovc v23;
	v27 =	vld.idx.msk [tilespmem:v23+s9+$0x0], $0xffff  }
0x21: {  	v28 =	vld.idx.msk [tilespmem:v23+s9+$0x0], $0xffff;
	vm0 =	vle.f32 v19, v4;
	vm1 =	vle.f32 v20, v12;
	vm2 =	vle.f32 v29, v8  }
0x22: {  	v43 =	vmovc v23;
	v40 =	vmovc v23;
	v44 =	vld.idx.msk [tilespmem:v23+s9+$0x0], $0xffff;
	v29 =	vimm.s32 $0x0;
	v24 =	vsel vm0, v23, v18;
	vm0 =	vle.f32 v21, v3  }
0x23: {  	v42 =	vmovc v23;
	v35 =	vmovc v23;
	v19 =	vsel vm1, v23, v18;
	vm1 =	vle.f32 v25, v6;
	v21 =	vimm.s32 $0x0  }
0x24: {  	v46 =	vld.idx.msk [tilespmem:v23+s9+$0x0], $0xffff;
	v26 =	vsel vm0, v23, v18;
	vm0 =	vle.f32 v22, v10;
	v25 =	vsel vm1, v23, v18  }
0x25: {  	v38 =	vmovc v23;
	v45 =	vmovc v23;
	v47 =	vld.idx.msk [tilespmem:v23+s9+$0x0], $0xffff;
	vm1 =	vle.f32 v27, v13;
	v22 =	vimm.s32 $0x0;
	v27 =	vimm.s32 $0x0  }
0x26: {  	s18 =	simm.s32 $0x1;
	v41 =	vmovc v23;
	v39 =	vmovc v23;
	v48 =	vld.idx.msk [tilespmem:v23+s9+$0x0], $0xffff;
	v20 =	vsel vm0, v23, v18;
	vm0 =	vle.f32 v28, v14;
	v28 =	vimm.s32 $0x0  }
.LBB2_2:
0x27: {  	s19 =	sshrl.u32 s13, s18;
	p0 =	sne.s32 s18, $0xA;
	s18 =	sadd.s32 $0x1, s18;
	v49 =	vld.idx.msk [tilespmem:v23+s9+$0x0], $0xffff;
	v18 =	vsel vm1, v33, v18;
	v21 =	vsel vm0, v37, v21;
	vm0 =	vle.f32 v44, v15  }
0x28: {  	v28 =	vsel vm2, v43, v28;
	v33 =	vadd.s32 s19, v18;
	v22 =	vsel vm0, v40, v22  }
0x29: {  	v37 =	vadd.s32 s19, v26;
	v40 =	vadd.s32 s19, v24;
	vm0 =	vle.f32 v46, v7  }
0x2a: {  	v43 =	vadd.s32 s19, v25;
	vm1 =	vlt.s32 v37, $0x7FF  }
0x2b: {  	vm2 =	vlt.s32 v40, $0x7FF;
	vm3 =	vlt.s32 v33, $0x7FF;
	vm4 =	vle.f32 v47, v9  }
0x2c: {  	v44 =	vadd.s32 s19, v20;
	v33 =	vnsel vm3, $0x7FF, v33;
	v27 =	vsel vm4, v35, v27;
	v46 =	vld.idx.msk [tilespmem:v42+s9+$0x0], $0xffff  }
0x2d: {  	v47 =	vnsel vm2, $0x7FF, v40;
	v35 =	vadd.s32 s19, v19;
	vm2 =	vle.f32 v48, v1;
	v40 =	vld.idx.msk [tilespmem:v38+s9+$0x0], $0xffff  }
0x2e: {  	vm3 =	vlt.s32 v44, $0x7FF;
	vm4 =	vlt.s32 v35, $0x7FF;
	v32 =	vsel vm2, v45, v32  }
0x2f: {  	v48 =	vnsel vm3, $0x7FF, v44;
	v45 =	vadd.s32 s19, v27;
	v44 =	vnsel vm4, $0x7FF, v35  }
0x30: {  	v29 =	vsel vm0, v39, v29;
	vm2 =	vlt.s32 v43, $0x7FF;
	vm3 =	vlt.s32 v45, $0x7FF;
	v50 =	vld.idx.msk [tilespmem:v41+s9+$0x0], $0xffff  }
0x31: {  	v51 =	vnsel vm1, $0x7FF, v37;
	v52 =	vnsel vm2, $0x7FF, v43;
	v35 =	vnsel vm3, $0x7FF, v45  }
0x32: {  	v39 =	vadd.s32 s19, v29;
	v37 =	vadd.s32 s19, v21;
	v43 =	vadd.s32 s19, v28  }
0x33: {  	vm0 =	vlt.s32 v37, $0x7FF;
	v45 =	vadd.s32 s19, v22;
	vm1 =	vle.f32 v46, v5  }
0x34: {  	v37 =	vnsel vm0, $0x7FF, v37;
	vm0 =	vle.f32 v49, v11;
	vm2 =	vlt.s32 v39, $0x7FF;
	v46 =	vld.idx.msk [tilespmem:v47+s9+$0x0], $0xffff  }
0x35: {  	v49 =	vadd.s32 s19, v32;
	vm3 =	vlt.s32 v43, $0x7FF;
	vm4 =	vle.f32 v40, v2;
	v53 =	vld.idx.msk [tilespmem:v44+s9+$0x0], $0xffff  }
0x36: {  	v43 =	vnsel vm3, $0x7FF, v43;
	vm3 =	vlt.s32 v45, $0x7FF;
	vm5 =	vle.f32 v50, v0;
	v54 =	vld.idx.msk [tilespmem:v51+s9+$0x0], $0xffff  }
0x37: {  	v31 =	vsel vm0, v23, v31;
	v40 =	vnsel vm3, $0x7FF, v45;
	v30 =	vsel vm1, v42, v30;
	v50 =	vld.idx.msk [tilespmem:v48+s9+$0x0], $0xffff  }
0x38: {  	vm0 =	vlt.s32 v49, $0x7FF;
	v39 =	vnsel vm2, $0x7FF, v39;
	v42 =	vadd.s32 s19, v30;
	v55 =	vld.idx.msk [tilespmem:v52+s9+$0x0], $0xffff  }
0x39: {  	v45 =	vnsel vm0, $0x7FF, v49;
	v34 =	vsel vm4, v38, v34;
	v36 =	vsel vm5, v41, v36;
	v49 =	vld.idx.msk [tilespmem:v33+s9+$0x0], $0xffff  }
0x3a: {  	v23 =	vadd.s32 s19, v31;
	v38 =	vadd.s32 s19, v34;
	vm0 =	vle.f32 v46, v4;
	v56 =	vld.idx.msk [tilespmem:v37+s9+$0x0], $0xffff  }
0x3b: {  	v24 =	vsel vm0, v47, v24;
	vm0 =	vlt.s32 v23, $0x7FF;
	vm1 =	vle.f32 v53, v12;
	v57 =	vld.idx.msk [tilespmem:v43+s9+$0x0], $0xffff  }
0x3c: {  	vm2 =	vle.f32 v54, v3;
	v23 =	vnsel vm0, $0x7FF, v23;
	v19 =	vsel vm1, v44, v19;
	v44 =	vld.idx.msk [tilespmem:v40+s9+$0x0], $0xffff  }
.Ltmp0:
0x3d: {  	vm0 =	vlt.s32 v38, $0x7FF;
	v26 =	vsel vm2, v51, v26;
	vm1 =	vle.f32 v50, v10;
	(pc) =	sbr.rel @p0 .LBB2_2-.Ltmp0, $4  }
0x3e: {  	v41 =	vadd.s32 s19, v36;
	vm2 =	vle.f32 v55, v6;
	v20 =	vsel vm1, v48, v20;
	v46 =	vld.idx.msk [tilespmem:v39+s9+$0x0], $0xffff  }
0x3f: {  	v38 =	vnsel vm0, $0x7FF, v38;
	vm1 =	vlt.s32 v41, $0x7FF;
	v25 =	vsel vm2, v52, v25  }
0x40: {  	v41 =	vnsel vm1, $0x7FF, v41;
	vm1 =	vlt.s32 v42, $0x7FF;
	vm0 =	vle.f32 v56, v14;
	v47 =	vld.idx.msk [tilespmem:v35+s9+$0x0], $0xffff  }
0x41: {  	v42 =	vnsel vm1, $0x7FF, v42;
	vm1 =	vle.f32 v49, v13;
	vm2 =	vle.f32 v57, v8;
	v48 =	vld.idx.msk [tilespmem:v45+s9+$0x0], $0xffff  }
0x42: {  	_ =	sdelay $0x3  }
0x43: {  	v49 =	vld.idx.msk [tilespmem:v41+s9+$0x0], $0xffff  }
0x44: {  	v50 =	vld.idx.msk [tilespmem:v38+s9+$0x0], $0xffff  }
0x45: {  	v58 =	vld.idx.msk [tilespmem:v42+s9+$0x0], $0xffff  }
0x46: {  	v59 =	vld.idx.msk [tilespmem:v23+s9+$0x0], $0xffff;
	[tilespmem:$0x1330] =	vst v26  }
0x47: {  	[tilespmem:$0x1340] =	vst v24  }
0x48: {  	[tilespmem:$0x1360] =	vst v25  }
0x49: {  	[tilespmem:$0x13A0] =	vst v20  }
0x4a: {  	v62 =	vsel vm2, v43, v28;
	[tilespmem:$0x13C0] =	vst v19  }
0x4b: {  	v18 =	vsel vm1, v33, v18;
	[tilespmem:$0x1380] =	vst v62  }
0x4c: {  	v19 =	vsel vm0, v37, v21;
	vm0 =	vle.f32 v44, v15;
	[tilespmem:$0x13D0] =	vst v18  }
0x4d: {  	v18 =	vsel vm0, v40, v22;
	[tilespmem:$0x13E0] =	vst v19;
	vm2 =	vle.f32 v47, v9  }
0x4e: {  	[tilespmem:$0x13F0] =	vst v18;
	v63 =	vsel vm2, v35, v27;
	vm3 =	vle.f32 v49, v0  }
0x4f: {  	vm2 =	vle.f32 v59, v11;
	[tilespmem:$0x1390] =	vst v63;
	v36 =	vsel vm3, v41, v36  }
0x50: {  	vm3 =	vle.f32 v48, v1;
	v23 =	vsel vm2, v23, v31;
	[tilespmem:$0x1300] =	vst v36  }
0x51: {  	v32 =	vsel vm3, v45, v32;
	vm3 =	vle.f32 v50, v2;
	[tilespmem:$0x13B0] =	vst v23  }
0x52: {  	v34 =	vsel vm3, v38, v34;
	[tilespmem:$0x1310] =	vst v32;
	vm3 =	vle.f32 v58, v5  }
0x53: {  	[tilespmem:$0x1320] =	vst v34;
	v60 =	vsel vm3, v42, v30;
	vm3 =	vle.f32 v46, v7  }
0x54: {  	[tilespmem:$0x1350] =	vst v60;
	v61 =	vsel vm3, v39, v29  }
0x55: {  	[tilespmem:$0x1370] =	vst v61  }
0x56: {  	_ =	swait.ge [sflag:s14], $0x800  }
0x57: {  	[sflag:s14] =	ssyncset.done $0x0  }
0x58: {  	[sflag:s14] =	ssyncadd.s32 $0xFFFFF800  }
0x59: {  	_ =	swait.ge [sflag:s14], $0x100  }
0x5a: {  	[sflag:s14] =	ssyncset.done $0x0  }
0x5b: {  	[sflag:s14] =	ssyncadd.s32 $0xFFFFFF00  }
0x5c: {  	_ =	swait.ge [sflag:s14], $0x100  }
0x5d: {  	[sflag:s14] =	ssyncset.done $0x0  }
0x5e: {  	[sflag:s14] =	ssyncadd.s32 $0xFFFFFF00  }
0x5f: {  	v18 =	vld.idx.msk [tilespmem:v16+s9+$0x0], $0xffff  }
0x60: {  	v19 =	vld.idx.msk [tilespmem:v17+s9+$0x0], $0xffff;
	_ =	sdelay $0x4  }
0x61: {  	v19 =	vsub.f32 v18, v19;
	_ =	sdelay $0x1  }
0x62: {  	(erf) = vrcp.f32 v19  }
0x63: {  	s18 =	simm.s32 $0x0  }
0x64: {  	v21 =	vld.idx.msk [tilespmem:v16+s18+$0x0], $0xffff  }
0x65: {  	v20 =	vld.idx.msk [tilespmem:v17+s18+$0x0], $0xffff  }
0x66: {  	s18 =	simm.s32 $0x0  }
0x67: {  	v19 =	vld [tilespmem:s18+$0x1300];
	_ =	sdelay $0x2  }
0x68: {  	v20 =	vsub.f32 v21, v20  }
0x69: {  	v22 =	vpop (erf)  }
0x6a: {  	v20 =	vmul.f32 v22, v20;
	v22 =	vadd.s32 $0x1, v19  }
0x6b: {  	vm0 =	vgt.s32 v22, $0x7FF  }
0x6c: {  	v18 =	vsub.f32 $8.191000000e+03, v18;
	v22 =	vsel vm0, $0x7FF, v22;
	_ =	sdelay $0x1  }
0x6d: {  	v18 =	vmul.f32 v20, v18  }
0x6e: {  	s19 =	simm.s32 $0x10;
	v20 =	vld [tilespmem:s18+$0x1000]  }
0x6f: {  	s20 =	simm.s32 $0x80;
	v18 =	vadd.f32 v18, v21;
	v21 =	vld [tilespmem:s19+$0x1300]  }
.LBB2_4:
0x70: {  	p0 =	sne.s32 s20, $0x3C0;
	v22 =	vld.idx.msk [tilespmem:v22+s4+$0x0], $0xffff  }
0x71: {  	v23 =	vld.idx.msk [tilespmem:v19+s4+$0x0], $0xffff  }
0x72: {  	v24 =	vld [tilespmem:s18+$0x1100];
	_ =	sdelay $0x1  }
0x73: {  	v19 =	vmov v21  }
0x74: {  	v21 =	vadd.s32 $0x1, v19  }
0x75: {  	v25 =	vsel vm0, v18, v22;
	vm0 =	vgt.s32 v21, $0x7FF  }
.Ltmp1:
0x76: {  	v20 =	vmul.f32 v25, v20;
	v22 =	vsel vm0, $0x7FF, v21;
	v21 =	vmul.f32 v24, v23;
	(pc) =	sbr.rel @p0 .LBB2_4-.Ltmp1, $4  }
0x77: {  	_ = 	snop  }
0x78: {  	v23 =	vadd.f32 v21, v20  }
0x79: {  	s21 =	sshra.s32 s20, $0x2;
	v20 =	vld [tilespmem:s19+$0x1000]  }
0x7a: {  	s20 =	sadd.s32 $0x40, s20;
	v21 =	vld [tilespmem:s21+$0x1300];
	[tilespmem:s18+$0x1200] =	vst v23;
	s18 =	smov.u32 s19;
	s19 =	smov.u32 s21  }
0x7b: {  	_ =	sdelay $0x3  }
0x7c: {  	v22 =	vld.idx.msk [tilespmem:v22+s4+$0x0], $0xffff  }
0x7d: {  	v19 =	vld.idx.msk [tilespmem:v19+s4+$0x0], $0xffff  }
0x7e: {  	v23 =	vld [tilespmem:s18+$0x1100];
	_ =	sdelay $0x2  }
0x7f: {  	v24 =	vadd.s32 $0x1, v21  }
0x80: {  	vm1 =	vgt.s32 v24, $0x7FF;
	v22 =	vsel vm0, v18, v22  }
0x81: {  	v19 =	vmul.f32 v23, v19;
	v24 =	vsel vm1, $0x7FF, v24;
	v20 =	vmul.f32 v22, v20;
	_ =	sdelay $0x1  }
0x82: {  	v19 =	vadd.f32 v19, v20;
	_ =	sdelay $0x1  }
0x83: {  	v61 =	vld [tilespmem:s19+$0x1000];
	[tilespmem:s18+$0x1200] =	vst v19  }
0x84: {  	v19 =	vld.idx.msk [tilespmem:v24+s4+$0x0], $0xffff  }
0x85: {  	v62 =	vld.idx.msk [tilespmem:v21+s4+$0x0], $0xffff  }
0x86: {  	v63 =	vld [tilespmem:s19+$0x1100];
	_ =	sdelay $0x3  }
0x87: {  	v18 =	vsel vm1, v18, v19  }
0x88: {  	v19 =	vmul.f32 v63, v62;
	v18 =	vmul.f32 v18, v61;
	_ =	sdelay $0x1  }
0x89: {  	s17 =	sadd.s32 $0x1, s17;
	v18 =	vadd.f32 v19, v18  }
0x8a: {  	p0 =	sne.s32 s17, s8  }
.Ltmp2:
0x8b: {  	[tilespmem:s19+$0x1200] =	vst v18;
	(pc) =	sbr.rel @p0 .LBB2_1-.Ltmp2, $4  }
0x8c: {  	[hbm4b:s7+s4] =	stream.linear.scatter [tilespmem:s15], [sflag:$0x3], $0x100, $0x38;
	[tilespmem:$0x1400] =	vst v63  }
0x8d: {  	_ =	swait.ge [sflag:s16], $0x100  }
0x8e: {  	[sflag:s16] =	ssyncset.done $0x0  }
0x8f: {  	[sflag:s16] =	ssyncadd.s32 $0xFFFFFF00  }
0x90: {  	_ =	sfence.sel $0x180000  }
0x91: {  	[bflag:$0x0] =	sbarrier.arrive $0xFFFF  }
0x92: {  	p0 =	sne.s32 s0, $0x0;
	_ =	strace $0x90000047  }
0x93: {  	s0 =	sadd.s32 @!p0 $0x100000, s3;
	[bflag:$0x2] =	sbarrier.arrive $0xFFFF  }
0x94: {  	[sflag:s0] =	ssyncadd.tile.s32 @!p0 $0x1;
	_ =	shalt  }
.Lfunc_end2:
_tile_overlayer_lowered:
.L_overlay_start_2:
0x95: {  	(tag) =	ssettag $0x2  }
0x96: {  	s0 =	rddreg [dreg:$0x0];
	s2 =	stileid.u32  }
0x97: {  	s1 =	rddreg [dreg:$0x1];
	p0 =	sne.s32 s2, $0x0  }
0x98: {  	s3 =	rddreg [dreg:$0x2];
	[bflag:$0x3] =	sbarrier.arrive $0xFFFF;
	s2 =	simm.s32 @!p0 $0x1C03  }
0x99: {  	[timem:s3], [sflag:s2] =	dma.local @!p0 [hbm:s0], s1  }
0x9a: {  	s0 =	simm.s32 @!p0 $0x3  }
0x9b: {  	_ =	swait.ge @!p0 [sflag:s0], s1  }
0x9c: {  	s1 =	ssub.s32 @!p0 $0x0, s1;
	[sflag:s0] =	ssyncset.done @!p0 $0x0  }
0x9d: {  	[sflag:s0] =	ssyncadd.s32 @!p0 s1  }
0x9e: {  	[bflag:$0x3] =	sbarrier.arrive $0xFFFF  }
0x9f: {  	_ =	shalt  }

</sc_bundles>
